<compile_context>
chip_gen: v7x
topology: tpu7x:2x2x1
jax: 0.10.2.dev20260603
libtpu: 0.0.44.dev20260713+nightly
codegen_flags: <defaults>
</compile_context>

<pallas_src>
import functools

import numpy as np
import jax
import jax.numpy as jnp
from jax import lax
from jax.experimental import pallas as pl
from jax.experimental.pallas import tpu as pltpu
from jax.experimental.pallas import tpu_sc as plsc

B = 4
T = 4096
DIM = 1024
G = 2
CD = 4
DPG = DIM // G
NSLOT = 4
NBIN = 625
NBIN_PAD = 640
TT = 2048
EPS = 1e-5
HALF_L = np.float32((5.0 - 1.0) * (1.0 + 1e-3) / 2.0)
NSC = 1
NW = 16 * NSC
WPS = NW // NSLOT
CHUNK = (B * T) // WPS


def _pack_base5(r):
    zh = r + 2.0
    return (zh[0:1, :] + 5.0 * zh[1:2, :] + 25.0 * zh[2:3, :]
            + 125.0 * zh[3:4, :])


def _a_body(x_ref, win_ref, bin_ref, q_ref, ind_ref):
    for g in range(G):
        xg = x_ref[0, g * DPG:(g + 1) * DPG, :]
        bias = jnp.transpose(bin_ref[g:g + 1, :])
        z = jnp.dot(win_ref[g], xg,
                    preferred_element_type=jnp.float32) + bias
        r0 = jnp.round(jnp.tanh(z) * HALF_L)
        res = z - r0 * 0.5
        r1 = jnp.round(jnp.tanh(res * 4.0) * HALF_L)
        q_ref[0, 4 * g:4 * (g + 1), :] = r0 * 0.5 + r1 * 0.125
        ind_ref[0, 2 * g:2 * g + 1, :] = _pack_base5(r0).astype(jnp.int32)
        ind_ref[0, 2 * g + 1:2 * g + 2, :] = _pack_base5(r1).astype(jnp.int32)


def _b_body(q_ref, wout_ref, bout_ref, feat_ref):
    for g in range(G):
        q = q_ref[0, 4 * g:4 * (g + 1), :]
        bias = jnp.transpose(bout_ref[g:g + 1, :])
        feat_ref[0, g * DPG:(g + 1) * DPG, :] = jnp.dot(
            wout_ref[g], q, preferred_element_type=jnp.float32) + bias


def _sc_hist_body(ind_hbm, out_hbm, idx_v, hist_v):
    wid = lax.axis_index("s") * NSC + lax.axis_index("c")
    slot = wid // WPS
    j = wid % WPS
    b = j // (WPS // B)
    t0 = (j % (WPS // B)) * CHUNK
    pltpu.sync_copy(ind_hbm.at[b, slot, pl.ds(t0, CHUNK)], idx_v)

    def zero_body(i, c):
        hist_v[pl.ds(i * 16, 16)] = jnp.zeros((16,), jnp.float32)
        return c

    lax.fori_loop(0, (16 * NBIN_PAD) // 16, zero_body, 0)
    lane_base = lax.broadcasted_iota(jnp.int32, (16,), 0) * NBIN_PAD
    ones = jnp.ones((16,), jnp.float32)

    def body(i, c):
        idx16 = idx_v[pl.ds(i * 16, 16)]
        plsc.addupdate_scatter(hist_v, [lane_base + idx16], ones)
        return c

    lax.fori_loop(0, CHUNK // 16, body, 0)
    pltpu.sync_copy(hist_v, out_hbm.at[wid])


def _perp_body(cnt_ref, perp_ref, zero_ref):
    c = cnt_ref[...].reshape(NSLOT, NW // NSLOT, 16 * NBIN_PAD)
    c = jnp.sum(c, axis=1)
    c = sum(c[:, l * NBIN_PAD:(l + 1) * NBIN_PAD] for l in range(16))
    e = c * (1.0 / np.float32(B * T))
    s = jnp.sum(e, axis=1, keepdims=True)
    e2 = e / (s + EPS)
    ent = jnp.sum(e2 * jnp.log(e2 + EPS), axis=1)
    perp_ref[...] = jnp.exp(-ent)
    zero_ref[...] = jnp.zeros((NSLOT,), jnp.float32)


def _run_a(x, Win, binv, interpret=False):
    nt = T // TT
    return pl.pallas_call(
        _a_body,
        grid=(B, nt),
        in_specs=[
            pl.BlockSpec((1, DIM, TT), lambda b, t: (b, 0, t)),
            pl.BlockSpec((G, CD, DPG), lambda b, t: (0, 0, 0)),
            pl.BlockSpec((G, CD), lambda b, t: (0, 0)),
        ],
        out_specs=[
            pl.BlockSpec((1, CD * G, TT), lambda b, t: (b, 0, t)),
            pl.BlockSpec((1, NSLOT, TT), lambda b, t: (b, 0, t)),
        ],
        out_shape=[
            jax.ShapeDtypeStruct((B, CD * G, T), jnp.float32),
            jax.ShapeDtypeStruct((B, NSLOT, T), jnp.int32),
        ],
        interpret=interpret,
    )(x, Win, binv)


def _run_b(qpack, Wout, bout, interpret=False):
    nt = T // TT
    return pl.pallas_call(
        _b_body,
        grid=(B, nt),
        in_specs=[
            pl.BlockSpec((1, CD * G, TT), lambda b, t: (b, 0, t)),
            pl.BlockSpec((G, DPG, CD), lambda b, t: (0, 0, 0)),
            pl.BlockSpec((G, DPG), lambda b, t: (0, 0)),
        ],
        out_specs=pl.BlockSpec((1, DIM, TT), lambda b, t: (b, 0, t)),
        out_shape=jax.ShapeDtypeStruct((B, DIM, T), jnp.float32),
        interpret=interpret,
    )(qpack, Wout, bout)


def kernel(x, Win, bin_, Wout, bout):
    qpack, ind = _run_a(x, Win, bin_)

    sc_hist = pl.kernel(
        _sc_hist_body,
        out_type=jax.ShapeDtypeStruct((NW, 16 * NBIN_PAD), jnp.float32),
        mesh=plsc.VectorSubcoreMesh(core_axis_name="c", subcore_axis_name="s",
                                    num_cores=NSC),
        compiler_params=pltpu.CompilerParams(needs_layout_passes=False),
        scratch_types=[
            pltpu.VMEM((CHUNK,), jnp.int32),
            pltpu.VMEM((16 * NBIN_PAD,), jnp.float32),
        ],
    )
    counts = sc_hist(ind)
    feat = _run_b(qpack, Wout, bout)

    perp, zeros = pl.pallas_call(
        _perp_body,
        out_shape=[
            jax.ShapeDtypeStruct((NSLOT,), jnp.float32),
            jax.ShapeDtypeStruct((NSLOT,), jnp.float32),
        ],
    )(counts)

    return (zeros, feat, perp, ind)

# --- scband reference (transcript-rebuilt; emitter-appended) ---
"""Pipeline reference for scband-gfsq-9749575762873 (READ-ONLY COPY).

The authoritative reference and input builder live on the scoring server;
editing this copy changes nothing except your own understanding.
"""

import jax, jax.numpy as jnp
import numpy as np

LEVELS_LIST = [5, 5, 5, 5]
G = 2
R = 2
DIM = 1024
DPG = DIM // G
CD = len(LEVELS_LIST)
N_IND = int(np.prod(LEVELS_LIST))
EPS = 1e-05
LEVELS = jnp.asarray(LEVELS_LIST, dtype=jnp.float32)
BASIS = jnp.asarray(np.concatenate([[1], np.cumprod(LEVELS_LIST[:-1])]), dtype=jnp.float32)


def round_ste(z):
    return z + jax.lax.stop_gradient(jnp.round(z) - z)


def bound(z, eps=1e-3):
    half_l = (LEVELS - 1.0) * (1.0 + eps) / 2.0
    offset = jnp.where(jnp.mod(LEVELS, 2.0) == 0.0, 0.5, 0.0)
    shift = jnp.arctanh(offset / half_l)
    return jnp.tanh(z + shift) * half_l - offset


def fsq(z):
    half_width = jnp.floor(LEVELS / 2.0)
    codes = round_ste(bound(z)) / half_width
    zhat = codes * half_width + half_width
    indices = jnp.sum(zhat * BASIS, axis=-1).astype(jnp.int32)
    return codes, indices


def residual_fsq(x, Win, bin_, Wout, bout):
    # x: (B, T, DPG); project_in -> codebook dim CD
    z = jnp.einsum('btd,cd->btc', x, Win) + bin_
    quantized_out = jnp.zeros_like(z)
    residual = z
    all_idx = []
    for q in range(R):
        scale = (LEVELS - 1.0) ** (-float(q))
        codes, idx = fsq(residual / scale)
        quantized = codes * scale
        residual = residual - jax.lax.stop_gradient(quantized)
        quantized_out = quantized_out + quantized
        all_idx.append(idx)
    out = jnp.einsum('btc,dc->btd', quantized_out, Wout) + bout
    return out, jnp.stack(all_idx, axis=-1)


def setup_inputs(seed: int = 0):
    key = jax.random.key(seed)
    ks = jax.random.split(key, 5)
    x = jax.random.normal(ks[0], (4, DIM, 4096), dtype=jnp.float32)
    Win = jax.random.normal(ks[1], (G, CD, DPG), dtype=jnp.float32) / np.sqrt(DPG)
    bin_ = jax.random.normal(ks[2], (G, CD), dtype=jnp.float32) / np.sqrt(DPG)
    Wout = jax.random.normal(ks[3], (G, DPG, CD), dtype=jnp.float32) / np.sqrt(CD)
    bout = jax.random.normal(ks[4], (G, DPG), dtype=jnp.float32) / np.sqrt(CD)
    return {"x": x, "Win": Win, "bin_": bin_, "Wout": Wout, "bout": bout}


def reference(x, Win, bin_, Wout, bout):
    # x: (B, DIM, T), transpose=True
    xt = jnp.transpose(x, (0, 2, 1))
    chunks = jnp.split(xt, G, axis=-1)
    feats, inds = [], []
    for g in range(G):
        f, i = residual_fsq(chunks[g], Win[g], bin_[g], Wout[g], bout[g])
        feats.append(f)
        inds.append(i)
    feat = jnp.concatenate(feats, axis=-1)  # (B, T, DIM)
    ind = jnp.stack(inds, axis=0)  # (G, B, T, R)
    B, T = ind.shape[1], ind.shape[2]
    ind = jnp.transpose(ind, (1, 2, 0, 3)).reshape(B, T, G * R)
    onehot = jax.nn.one_hot(ind, N_IND, dtype=x.dtype)
    e_mean = jnp.mean(onehot, axis=(0, 1))  # (G*R, N_IND)
    e_mean = e_mean / (jnp.sum(e_mean, axis=1, keepdims=True) + EPS)
    perplexity = jnp.exp(-jnp.sum(e_mean * jnp.log(e_mean + EPS), axis=1))
    zeros = jnp.zeros_like(perplexity)
    return (zeros, jnp.transpose(feat, (0, 2, 1)), perplexity, jnp.transpose(ind, (0, 2, 1)))

if __name__ == "__main__":
    import jax
    _d = setup_inputs()
    print(jax.jit(kernel)(*tuple(_d.values())))

</pallas_src>

<mosaic_0001>
#map = affine_map<(d0, d1) -> (0, 0, 0)>
#map1 = affine_map<(d0, d1) -> (0, 0)>
module attributes {stable_mosaic.version = 14 : i64} {
  func.func @_sc_hist_body(%arg0: i32, %arg1: i32, %arg2: memref<4x4x4096xi32, #tpu.memory_space<hbm>>, %arg3: memref<16x10240xf32, #tpu.memory_space<hbm>>, %arg4: memref<4096xi32, #tpu.memory_space<vmem>>, %arg5: memref<10240xf32, #tpu.memory_space<vmem>>) attributes {dimension_semantics = [#tpu.dimension_semantics<core_parallel>, #tpu.dimension_semantics<subcore_parallel>], iteration_bounds = array<i64: 1, 16>, scalar_prefetch = 0 : i64, scratch_operands = 2 : i64, tpu.core_type = #tpu.core_type<sc_vector_subcore>, window_params = [{transform_indices = #map}, {transform_indices = #map1}]} {
    %mul3A = arith.constant 1 : i32
    %mul3A_0 = arith.muli %arg1, %mul3A : i32
    %add3A = arith.addi %mul3A_0, %arg0 : i32
    %jit3A = arith.constant 4 : i32
    %div3A = arith.divsi %add3A, %jit3A : i32
    %sign3A = arith.constant 0 : i32
    %sign3A_1 = arith.cmpi sgt, %add3A, %sign3A : i32
    %sign3A_2 = arith.extui %sign3A_1 : i1 to i32
    %sign3A_3 = arith.constant 0 : i32
    %sign3A_4 = arith.cmpi slt, %add3A, %sign3A_3 : i32
    %sign3A_5 = arith.extui %sign3A_4 : i1 to i32
    %sign3A_6 = arith.subi %sign3A_2, %sign3A_5 : i32
    %sign3A_7 = arith.constant 0 : i32
    %sign3A_8 = arith.cmpi sgt, %jit3A, %sign3A_7 : i32
    %sign3A_9 = arith.extui %sign3A_8 : i1 to i32
    %sign3A_10 = arith.constant 0 : i32
    %sign3A_11 = arith.cmpi slt, %jit3A, %sign3A_10 : i32
    %sign3A_12 = arith.extui %sign3A_11 : i1 to i32
    %sign3A_13 = arith.subi %sign3A_9, %sign3A_12 : i32
    %ne3A = arith.cmpi ne, %sign3A_6, %sign3A_13 : i32
    %rem3A = arith.remsi %add3A, %jit3A : i32
    %ne3A_14 = arith.constant 0 : i32
    %ne3A_15 = arith.cmpi ne, %rem3A, %ne3A_14 : i32
    %and3A = arith.andi %ne3A, %ne3A_15 : i1
    %sub3A = arith.constant 1 : i32
    %sub3A_16 = arith.subi %div3A, %sub3A : i32
    %select_n3A = arith.select %and3A, %sub3A_16, %div3A : i32
    %jit3A_17 = arith.constant 4 : i32
    %eq3A = arith.constant 0 : i32
    %eq3A_18 = arith.cmpi eq, %jit3A_17, %eq3A : i32
    %jit3A_19 = arith.constant 1 : i32
    %select_n3A_20 = arith.select %eq3A_18, %jit3A_19, %jit3A_17 : i32
    %rem3A_21 = arith.remsi %add3A, %select_n3A_20 : i32
    %ne3A_22 = arith.constant 0 : i32
    %ne3A_23 = arith.cmpi ne, %rem3A_21, %ne3A_22 : i32
    %lt3A = arith.constant 0 : i32
    %lt3A_24 = arith.cmpi slt, %rem3A_21, %lt3A : i32
    %lt3A_25 = arith.constant 0 : i32
    %lt3A_26 = arith.cmpi slt, %select_n3A_20, %lt3A_25 : i32
    %ne3A_27 = arith.xori %lt3A_24, %lt3A_26 : i1
    %and3A_28 = arith.andi %ne3A_27, %ne3A_23 : i1
    %add3A_29 = arith.addi %rem3A_21, %select_n3A_20 : i32
    %select_n3A_30 = arith.select %and3A_28, %add3A_29, %rem3A_21 : i32
    %jit3A_31 = arith.constant 1 : i32
    %div3A_32 = arith.divsi %select_n3A_30, %jit3A_31 : i32
    %sign3A_33 = arith.constant 0 : i32
    %sign3A_34 = arith.cmpi sgt, %select_n3A_30, %sign3A_33 : i32
    %sign3A_35 = arith.extui %sign3A_34 : i1 to i32
    %sign3A_36 = arith.constant 0 : i32
    %sign3A_37 = arith.cmpi slt, %select_n3A_30, %sign3A_36 : i32
    %sign3A_38 = arith.extui %sign3A_37 : i1 to i32
    %sign3A_39 = arith.subi %sign3A_35, %sign3A_38 : i32
    %sign3A_40 = arith.constant 0 : i32
    %sign3A_41 = arith.cmpi sgt, %jit3A_31, %sign3A_40 : i32
    %sign3A_42 = arith.extui %sign3A_41 : i1 to i32
    %sign3A_43 = arith.constant 0 : i32
    %sign3A_44 = arith.cmpi slt, %jit3A_31, %sign3A_43 : i32
    %sign3A_45 = arith.extui %sign3A_44 : i1 to i32
    %sign3A_46 = arith.subi %sign3A_42, %sign3A_45 : i32
    %ne3A_47 = arith.cmpi ne, %sign3A_39, %sign3A_46 : i32
    %rem3A_48 = arith.remsi %select_n3A_30, %jit3A_31 : i32
    %ne3A_49 = arith.constant 0 : i32
    %ne3A_50 = arith.cmpi ne, %rem3A_48, %ne3A_49 : i32
    %and3A_51 = arith.andi %ne3A_47, %ne3A_50 : i1
    %sub3A_52 = arith.constant 1 : i32
    %sub3A_53 = arith.subi %div3A_32, %sub3A_52 : i32
    %select_n3A_54 = arith.select %and3A_51, %sub3A_53, %div3A_32 : i32
    %jit3A_55 = arith.constant 1 : i32
    %eq3A_56 = arith.constant 0 : i32
    %eq3A_57 = arith.cmpi eq, %jit3A_55, %eq3A_56 : i32
    %jit3A_58 = arith.constant 1 : i32
    %select_n3A_59 = arith.select %eq3A_57, %jit3A_58, %jit3A_55 : i32
    %rem3A_60 = arith.remsi %select_n3A_30, %select_n3A_59 : i32
    %ne3A_61 = arith.constant 0 : i32
    %ne3A_62 = arith.cmpi ne, %rem3A_60, %ne3A_61 : i32
    %lt3A_63 = arith.constant 0 : i32
    %lt3A_64 = arith.cmpi slt, %rem3A_60, %lt3A_63 : i32
    %lt3A_65 = arith.constant 0 : i32
    %lt3A_66 = arith.cmpi slt, %select_n3A_59, %lt3A_65 : i32
    %ne3A_67 = arith.xori %lt3A_64, %lt3A_66 : i1
    %and3A_68 = arith.andi %ne3A_67, %ne3A_62 : i1
    %add3A_69 = arith.addi %rem3A_60, %select_n3A_59 : i32
    %select_n3A_70 = arith.select %and3A_68, %add3A_69, %rem3A_60 : i32
    %mul3A_71 = arith.constant 4096 : i32
    %mul3A_72 = arith.muli %select_n3A_70, %mul3A_71 : i32
    "tpu.region"() ({
      %run_scoped3A = tpu.sem_alloc : memref<!tpu.dma_semaphore, #tpu.memory_space<semaphore_mem>>
      %dma_start3A = tpu.memref_slice %arg2[%select_n3A_54, %select_n3A, %mul3A_72] : memref<4x4x4096xi32, #tpu.memory_space<hbm>> -> memref<1x1x4096xi32, #tpu.memory_space<hbm>>
      %dma_start3A_88 = tpu.memref_squeeze %dma_start3A : memref<1x1x4096xi32, #tpu.memory_space<hbm>> -> memref<4096xi32, #tpu.memory_space<hbm>>
      %dma_start3A_89 = tpu.memref_slice %arg2[%select_n3A_54, %select_n3A, %mul3A_72] : memref<4x4x4096xi32, #tpu.memory_space<hbm>> -> memref<1x1x4096xi32, #tpu.memory_space<hbm>>
      %dma_start3A_90 = tpu.memref_squeeze %dma_start3A_89 : memref<1x1x4096xi32, #tpu.memory_space<hbm>> -> memref<4096xi32, #tpu.memory_space<hbm>>
      tpu.enqueue_dma source(%dma_start3A_90 : memref<4096xi32, #tpu.memory_space<hbm>>) target(%arg4 : memref<4096xi32, #tpu.memory_space<vmem>>) target_semaphore(%run_scoped3A : memref<!tpu.dma_semaphore, #tpu.memory_space<semaphore_mem>>)
      %dma_wait3A = tpu.memref_slice %arg2[%select_n3A_54, %select_n3A, %mul3A_72] : memref<4x4x4096xi32, #tpu.memory_space<hbm>> -> memref<1x1x4096xi32, #tpu.memory_space<hbm>>
      %dma_wait3A_91 = tpu.memref_squeeze %dma_wait3A : memref<1x1x4096xi32, #tpu.memory_space<hbm>> -> memref<4096xi32, #tpu.memory_space<hbm>>
      %dma_wait3A_92 = tpu.memref_slice %arg2[%select_n3A_54, %select_n3A, %mul3A_72] : memref<4x4x4096xi32, #tpu.memory_space<hbm>> -> memref<1x1x4096xi32, #tpu.memory_space<hbm>>
      %dma_wait3A_93 = tpu.memref_squeeze %dma_wait3A_92 : memref<1x1x4096xi32, #tpu.memory_space<hbm>> -> memref<4096xi32, #tpu.memory_space<hbm>>
      tpu.wait_dma2 semaphore(%run_scoped3A : memref<!tpu.dma_semaphore, #tpu.memory_space<semaphore_mem>>) src(%dma_wait3A_93 : memref<4096xi32, #tpu.memory_space<hbm>>) dst(%arg4 : memref<4096xi32, #tpu.memory_space<vmem>>)
      tpu.yield
    }) : () -> ()
    %scan3A = arith.constant 0 : i32
    %scan3A_73 = arith.constant 0 : i32
    %scan3A_74 = arith.constant 640 : i32
    %scan3A_75 = arith.addi %scan3A_73, %scan3A_74 : i32
    %scan3A_76 = arith.constant 1 : i32
    scf.for %scan3A_88 = %scan3A_73 to %scan3A_75 step %scan3A_76  : i32 {
      %broadcast_in_dim3A_89 = arith.constant 0.000000e+00 : f32
      %broadcast_in_dim3A_90 = vector.broadcast %broadcast_in_dim3A_89 : f32 to vector<16xf32>
      %mul3A_91 = arith.constant 16 : i32
      %mul3A_92 = arith.muli %scan3A_88, %mul3A_91 : i32
      %swap3A = arith.index_cast %mul3A_92 : i32 to index
      %swap3A_93 = tpu.vector_load %arg5[%swap3A] {strides = array<i32>} : memref<10240xf32, #tpu.memory_space<vmem>>, vector<16xf32>,
      tpu.vector_store %arg5[%swap3A], %broadcast_in_dim3A_90 {strides = array<i32>} : memref<10240xf32, #tpu.memory_space<vmem>>, vector<16xf32>,
    }
    %scan3A_77 = arith.constant 640 : i32
    %iota3A = tpu.iota {dimensions = array<i32: 0>} : vector<16xi32>
    %mul3A_78 = arith.constant 640 : i32
    %mul3A_79 = vector.broadcast %mul3A_78 : i32 to vector<16xi32>
    %mul3A_80 = arith.muli %iota3A, %mul3A_79 : vector<16xi32>
    %broadcast_in_dim3A = arith.constant 1.000000e+00 : f32
    %broadcast_in_dim3A_81 = vector.broadcast %broadcast_in_dim3A : f32 to vector<16xf32>
    %scan3A_82 = arith.constant 0 : i32
    %scan3A_83 = arith.constant 0 : i32
    %scan3A_84 = arith.constant 256 : i32
    %scan3A_85 = arith.addi %scan3A_83, %scan3A_84 : i32
    %scan3A_86 = arith.constant 1 : i32
    scf.for %scan3A_88 = %scan3A_83 to %scan3A_85 step %scan3A_86  : i32 {
      %mul3A_89 = arith.constant 16 : i32
      %mul3A_90 = arith.muli %scan3A_88, %mul3A_89 : i32
      %get3A = arith.index_cast %mul3A_90 : i32 to index
      %get3A_91 = tpu.vector_load %arg4[%get3A] {strides = array<i32>} : memref<4096xi32, #tpu.memory_space<vmem>>, vector<16xi32>,
      %add3A_92 = arith.addi %mul3A_80, %get3A_91 : vector<16xi32>
      tpu.vector_store_idx %arg5[%add3A_92], %broadcast_in_dim3A_81 {add = true} : memref<10240xf32, #tpu.memory_space<vmem>>[vector<16xi32>], vector<16xf32>,
    }
    %scan3A_87 = arith.constant 256 : i32
    "tpu.region"() ({
      %run_scoped3A = tpu.sem_alloc : memref<!tpu.dma_semaphore, #tpu.memory_space<semaphore_mem>>
      %dma_start3A = arith.constant 0 : i32
      %dma_start3A_88 = tpu.memref_slice %arg3[%add3A, %dma_start3A] : memref<16x10240xf32, #tpu.memory_space<hbm>> -> memref<1x10240xf32, #tpu.memory_space<hbm>>
      %dma_start3A_89 = tpu.memref_squeeze %dma_start3A_88 : memref<1x10240xf32, #tpu.memory_space<hbm>> -> memref<10240xf32, #tpu.memory_space<hbm>>
      %dma_start3A_90 = arith.constant 0 : i32
      %dma_start3A_91 = tpu.memref_slice %arg3[%add3A, %dma_start3A_90] : memref<16x10240xf32, #tpu.memory_space<hbm>> -> memref<1x10240xf32, #tpu.memory_space<hbm>>
      %dma_start3A_92 = tpu.memref_squeeze %dma_start3A_91 : memref<1x10240xf32, #tpu.memory_space<hbm>> -> memref<10240xf32, #tpu.memory_space<hbm>>
      tpu.enqueue_dma source(%arg5 : memref<10240xf32, #tpu.memory_space<vmem>>) target(%dma_start3A_92 : memref<10240xf32, #tpu.memory_space<hbm>>) target_semaphore(%run_scoped3A : memref<!tpu.dma_semaphore, #tpu.memory_space<semaphore_mem>>)
      %dma_wait3A = arith.constant 0 : i32
      %dma_wait3A_93 = tpu.memref_slice %arg3[%add3A, %dma_wait3A] : memref<16x10240xf32, #tpu.memory_space<hbm>> -> memref<1x10240xf32, #tpu.memory_space<hbm>>
      %dma_wait3A_94 = tpu.memref_squeeze %dma_wait3A_93 : memref<1x10240xf32, #tpu.memory_space<hbm>> -> memref<10240xf32, #tpu.memory_space<hbm>>
      %dma_wait3A_95 = arith.constant 0 : i32
      %dma_wait3A_96 = tpu.memref_slice %arg3[%add3A, %dma_wait3A_95] : memref<16x10240xf32, #tpu.memory_space<hbm>> -> memref<1x10240xf32, #tpu.memory_space<hbm>>
      %dma_wait3A_97 = tpu.memref_squeeze %dma_wait3A_96 : memref<1x10240xf32, #tpu.memory_space<hbm>> -> memref<10240xf32, #tpu.memory_space<hbm>>
      tpu.wait_dma2 semaphore(%run_scoped3A : memref<!tpu.dma_semaphore, #tpu.memory_space<semaphore_mem>>) src(%arg5 : memref<10240xf32, #tpu.memory_space<vmem>>) dst(%dma_wait3A_97 : memref<10240xf32, #tpu.memory_space<hbm>>)
      tpu.yield
    }) : () -> ()
    return
  }
}

module attributes {stable_mosaic.version = 14 : i64} {
  func.func @_b_body(%arg0: i32, %arg1: i32, %arg2: memref<1x8x2048xf32, #tpu.memory_space<vmem>>, %arg3: memref<2x512x4xf32, #tpu.memory_space<vmem>>, %arg4: memref<2x512xf32, #tpu.memory_space<vmem>>, %arg5: memref<1x1024x2048xf32, #tpu.memory_space<vmem>>) attributes {dimension_semantics = [#tpu.dimension_semantics<arbitrary>, #tpu.dimension_semantics<arbitrary>], iteration_bounds = array<i64: 4, 2>, scalar_prefetch = 0 : i64, scratch_operands = 0 : i64, tpu.core_type = #tpu.core_type<tc>, window_params = [{transform_indices = @transform_0, window_bounds = array<i64: 1, 8, 2048>}, {pipeline_mode = #tpu.pipeline_mode<synchronous>, transform_indices = @transform_1, window_bounds = array<i64: 2, 512, 4>}, {pipeline_mode = #tpu.pipeline_mode<synchronous>, transform_indices = @transform_2, window_bounds = array<i64: 2, 512>}, {transform_indices = @transform_3, window_bounds = array<i64: 1, 1024, 2048>}]} {
    %get3A = arith.constant 0 : index
    %get3A_0 = arith.constant 0 : index
    %get3A_1 = arith.constant 0 : index
    %get3A_2 = vector.load %arg2[%get3A, %get3A_0, %get3A_1] : memref<1x8x2048xf32, #tpu.memory_space<vmem>>, vector<1x4x2048xf32>
    %get3A_3 = vector.shape_cast %get3A_2 : vector<1x4x2048xf32> to vector<4x2048xf32>
    %get3A_4 = arith.constant 0 : index
    %get3A_5 = arith.constant 0 : index
    %get3A_6 = vector.load %arg4[%get3A_4, %get3A_5] : memref<2x512xf32, #tpu.memory_space<vmem>>, vector<1x512xf32>
    %transpose3A = tpu.transpose %get3A_6, [1, 0] : vector<1x512xf32> -> vector<512x1xf32>
    %get3A_7 = arith.constant 0 : index
    %get3A_8 = arith.constant 0 : index
    %get3A_9 = arith.constant 0 : index
    %get3A_10 = vector.load %arg3[%get3A_7, %get3A_8, %get3A_9] : memref<2x512x4xf32, #tpu.memory_space<vmem>>, vector<1x512x4xf32>
    %get3A_11 = vector.shape_cast %get3A_10 : vector<1x512x4xf32> to vector<512x4xf32>
    %dot_general3A = arith.constant dense<0.000000e+00> : vector<512x2048xf32>
    %dot_general3A_12 = tpu.matmul %get3A_11, %get3A_3, %dot_general3A {dimension_numbers = #tpu.dot_dimension_numbers<[1], [0], [0], [1], [0, 0, 1, 1], [], []>, transpose_lhs_hint = false} : vector<512x4xf32>, vector<4x2048xf32>, vector<512x2048xf32> -> vector<512x2048xf32>
    %add3A = vector.broadcast %transpose3A : vector<512x1xf32> to vector<512x2048xf32>
    %add3A_13 = arith.addf %dot_general3A_12, %add3A : vector<512x2048xf32>
    %swap3A = arith.constant 0 : index
    %swap3A_14 = arith.constant 0 : index
    %swap3A_15 = arith.constant 0 : index
    %swap3A_16 = vector.load %arg5[%swap3A, %swap3A_14, %swap3A_15] : memref<1x1024x2048xf32, #tpu.memory_space<vmem>>, vector<1x512x2048xf32>
    %swap3A_17 = vector.shape_cast %swap3A_16 : vector<1x512x2048xf32> to vector<512x2048xf32>
    %swap3A_18 = vector.shape_cast %add3A_13 : vector<512x2048xf32> to vector<1x512x2048xf32>
    tpu.vector_store %arg5[%swap3A, %swap3A_14, %swap3A_15], %swap3A_18 {strides = array<i32>} : memref<1x1024x2048xf32, #tpu.memory_space<vmem>>, vector<1x512x2048xf32>,
    %get3A_19 = arith.constant 0 : index
    %get3A_20 = arith.constant 4 : index
    %get3A_21 = arith.constant 0 : index
    %get3A_22 = vector.load %arg2[%get3A_19, %get3A_20, %get3A_21] : memref<1x8x2048xf32, #tpu.memory_space<vmem>>, vector<1x4x2048xf32>
    %get3A_23 = vector.shape_cast %get3A_22 : vector<1x4x2048xf32> to vector<4x2048xf32>
    %get3A_24 = arith.constant 1 : index
    %get3A_25 = arith.constant 0 : index
    %get3A_26 = vector.load %arg4[%get3A_24, %get3A_25] : memref<2x512xf32, #tpu.memory_space<vmem>>, vector<1x512xf32>
    %transpose3A_27 = tpu.transpose %get3A_26, [1, 0] : vector<1x512xf32> -> vector<512x1xf32>
    %get3A_28 = arith.constant 1 : index
    %get3A_29 = arith.constant 0 : index
    %get3A_30 = arith.constant 0 : index
    %get3A_31 = vector.load %arg3[%get3A_28, %get3A_29, %get3A_30] : memref<2x512x4xf32, #tpu.memory_space<vmem>>, vector<1x512x4xf32>
    %get3A_32 = vector.shape_cast %get3A_31 : vector<1x512x4xf32> to vector<512x4xf32>
    %dot_general3A_33 = arith.constant dense<0.000000e+00> : vector<512x2048xf32>
    %dot_general3A_34 = tpu.matmul %get3A_32, %get3A_23, %dot_general3A_33 {dimension_numbers = #tpu.dot_dimension_numbers<[1], [0], [0], [1], [0, 0, 1, 1], [], []>, transpose_lhs_hint = false} : vector<512x4xf32>, vector<4x2048xf32>, vector<512x2048xf32> -> vector<512x2048xf32>
    %add3A_35 = vector.broadcast %transpose3A_27 : vector<512x1xf32> to vector<512x2048xf32>
    %add3A_36 = arith.addf %dot_general3A_34, %add3A_35 : vector<512x2048xf32>
    %swap3A_37 = arith.constant 0 : index
    %swap3A_38 = arith.constant 512 : index
    %swap3A_39 = arith.constant 0 : index
    %swap3A_40 = vector.load %arg5[%swap3A_37, %swap3A_38, %swap3A_39] : memref<1x1024x2048xf32, #tpu.memory_space<vmem>>, vector<1x512x2048xf32>
    %swap3A_41 = vector.shape_cast %swap3A_40 : vector<1x512x2048xf32> to vector<512x2048xf32>
    %swap3A_42 = vector.shape_cast %add3A_36 : vector<512x2048xf32> to vector<1x512x2048xf32>
    tpu.vector_store %arg5[%swap3A_37, %swap3A_38, %swap3A_39], %swap3A_42 {strides = array<i32>} : memref<1x1024x2048xf32, #tpu.memory_space<vmem>>, vector<1x512x2048xf32>,
    return
  }
  func.func @transform_0(%arg0: i32, %arg1: i32) -> (i32, i32, i32) {
    %c0_i32 = arith.constant 0 : i32
    %c0_i32_0 = arith.constant 0 : i32
    return %arg0, %c0_i32, %arg1 : i32, i32, i32
  }
  func.func @transform_1(%arg0: i32, %arg1: i32) -> (i32, i32, i32) {
    %c0_i32 = arith.constant 0 : i32
    %c0_i32_0 = arith.constant 0 : i32
    %c0_i32_1 = arith.constant 0 : i32
    %c0_i32_2 = arith.constant 0 : i32
    return %c0_i32, %c0_i32_0, %c0_i32_1 : i32, i32, i32
  }
  func.func @transform_2(%arg0: i32, %arg1: i32) -> (i32, i32) {
    %c0_i32 = arith.constant 0 : i32
    %c0_i32_0 = arith.constant 0 : i32
    %c0_i32_1 = arith.constant 0 : i32
    return %c0_i32, %c0_i32_0 : i32, i32
  }
  func.func @transform_3(%arg0: i32, %arg1: i32) -> (i32, i32, i32) {
    %c0_i32 = arith.constant 0 : i32
    %c0_i32_0 = arith.constant 0 : i32
    return %arg0, %c0_i32, %arg1 : i32, i32, i32
  }
}

module attributes {stable_mosaic.version = 14 : i64} {
  func.func @_a_body(%arg0: i32, %arg1: i32, %arg2: memref<1x1024x2048xf32, #tpu.memory_space<vmem>>, %arg3: memref<2x4x512xf32, #tpu.memory_space<vmem>>, %arg4: memref<2x4xf32, #tpu.memory_space<vmem>>, %arg5: memref<1x8x2048xf32, #tpu.memory_space<vmem>>, %arg6: memref<1x4x2048xi32, #tpu.memory_space<vmem>>) attributes {dimension_semantics = [#tpu.dimension_semantics<arbitrary>, #tpu.dimension_semantics<arbitrary>], iteration_bounds = array<i64: 4, 2>, scalar_prefetch = 0 : i64, scratch_operands = 0 : i64, tpu.core_type = #tpu.core_type<tc>, window_params = [{transform_indices = @transform_0, window_bounds = array<i64: 1, 1024, 2048>}, {pipeline_mode = #tpu.pipeline_mode<synchronous>, transform_indices = @transform_1, window_bounds = array<i64: 2, 4, 512>}, {pipeline_mode = #tpu.pipeline_mode<synchronous>, transform_indices = @transform_2, window_bounds = array<i64: 2, 4>}, {transform_indices = @transform_3, window_bounds = array<i64: 1, 8, 2048>}, {transform_indices = @transform_4, window_bounds = array<i64: 1, 4, 2048>}]} {
    %get3A = arith.constant 0 : index
    %get3A_0 = arith.constant 0 : index
    %get3A_1 = arith.constant 0 : index
    %get3A_2 = vector.load %arg2[%get3A, %get3A_0, %get3A_1] : memref<1x1024x2048xf32, #tpu.memory_space<vmem>>, vector<1x512x2048xf32>
    %get3A_3 = vector.shape_cast %get3A_2 : vector<1x512x2048xf32> to vector<512x2048xf32>
    %get3A_4 = arith.constant 0 : index
    %get3A_5 = arith.constant 0 : index
    %get3A_6 = vector.load %arg4[%get3A_4, %get3A_5] : memref<2x4xf32, #tpu.memory_space<vmem>>, vector<1x4xf32>
    %transpose3A = tpu.transpose %get3A_6, [1, 0] : vector<1x4xf32> -> vector<4x1xf32>
    %get3A_7 = arith.constant 0 : index
    %get3A_8 = arith.constant 0 : index
    %get3A_9 = arith.constant 0 : index
    %get3A_10 = vector.load %arg3[%get3A_7, %get3A_8, %get3A_9] : memref<2x4x512xf32, #tpu.memory_space<vmem>>, vector<1x4x512xf32>
    %get3A_11 = vector.shape_cast %get3A_10 : vector<1x4x512xf32> to vector<4x512xf32>
    %dot_general3A = arith.constant dense<0.000000e+00> : vector<4x2048xf32>
    %dot_general3A_12 = tpu.matmul %get3A_11, %get3A_3, %dot_general3A {dimension_numbers = #tpu.dot_dimension_numbers<[1], [0], [0], [1], [0, 0, 1, 1], [], []>, transpose_lhs_hint = false} : vector<4x512xf32>, vector<512x2048xf32>, vector<4x2048xf32> -> vector<4x2048xf32>
    %add3A = vector.broadcast %transpose3A : vector<4x1xf32> to vector<4x2048xf32>
    %add3A_13 = arith.addf %dot_general3A_12, %add3A : vector<4x2048xf32>
    %tanh3A = math.tanh %add3A_13 : vector<4x2048xf32>
    %mul3A = arith.constant 2.002000e+00 : f32
    %mul3A_14 = vector.broadcast %mul3A : f32 to vector<4x2048xf32>
    %mul3A_15 = arith.mulf %tanh3A, %mul3A_14 : vector<4x2048xf32>
    %round3A = math.roundeven %mul3A_15 : vector<4x2048xf32>
    %mul3A_16 = arith.constant 5.000000e-01 : f32
    %mul3A_17 = vector.broadcast %mul3A_16 : f32 to vector<4x2048xf32>
    %mul3A_18 = arith.mulf %round3A, %mul3A_17 : vector<4x2048xf32>
    %sub3A = arith.subf %add3A_13, %mul3A_18 : vector<4x2048xf32>
    %mul3A_19 = arith.constant 4.000000e+00 : f32
    %mul3A_20 = vector.broadcast %mul3A_19 : f32 to vector<4x2048xf32>
    %mul3A_21 = arith.mulf %sub3A, %mul3A_20 : vector<4x2048xf32>
    %tanh3A_22 = math.tanh %mul3A_21 : vector<4x2048xf32>
    %mul3A_23 = arith.constant 2.002000e+00 : f32
    %mul3A_24 = vector.broadcast %mul3A_23 : f32 to vector<4x2048xf32>
    %mul3A_25 = arith.mulf %tanh3A_22, %mul3A_24 : vector<4x2048xf32>
    %round3A_26 = math.roundeven %mul3A_25 : vector<4x2048xf32>
    %mul3A_27 = arith.constant 5.000000e-01 : f32
    %mul3A_28 = vector.broadcast %mul3A_27 : f32 to vector<4x2048xf32>
    %mul3A_29 = arith.mulf %round3A, %mul3A_28 : vector<4x2048xf32>
    %mul3A_30 = arith.constant 1.250000e-01 : f32
    %mul3A_31 = vector.broadcast %mul3A_30 : f32 to vector<4x2048xf32>
    %mul3A_32 = arith.mulf %round3A_26, %mul3A_31 : vector<4x2048xf32>
    %add3A_33 = arith.addf %mul3A_29, %mul3A_32 : vector<4x2048xf32>
    %swap3A = arith.constant 0 : index
    %swap3A_34 = arith.constant 0 : index
    %swap3A_35 = arith.constant 0 : index
    %swap3A_36 = vector.load %arg5[%swap3A, %swap3A_34, %swap3A_35] : memref<1x8x2048xf32, #tpu.memory_space<vmem>>, vector<1x4x2048xf32>
    %swap3A_37 = vector.shape_cast %swap3A_36 : vector<1x4x2048xf32> to vector<4x2048xf32>
    %swap3A_38 = vector.shape_cast %add3A_33 : vector<4x2048xf32> to vector<1x4x2048xf32>
    tpu.vector_store %arg5[%swap3A, %swap3A_34, %swap3A_35], %swap3A_38 {strides = array<i32>} : memref<1x8x2048xf32, #tpu.memory_space<vmem>>, vector<1x4x2048xf32>,
    %add3A_39 = arith.constant 2.000000e+00 : f32
    %add3A_40 = vector.broadcast %add3A_39 : f32 to vector<4x2048xf32>
    %add3A_41 = arith.addf %round3A, %add3A_40 : vector<4x2048xf32>
    %slice3A = vector.extract_strided_slice %add3A_41 {offsets = [0, 0], sizes = [1, 2048], strides = [1, 1]} : vector<4x2048xf32> to vector<1x2048xf32>
    %slice3A_42 = vector.extract_strided_slice %add3A_41 {offsets = [1, 0], sizes = [1, 2048], strides = [1, 1]} : vector<4x2048xf32> to vector<1x2048xf32>
    %mul3A_43 = arith.constant 5.000000e+00 : f32
    %mul3A_44 = vector.broadcast %mul3A_43 : f32 to vector<1x2048xf32>
    %mul3A_45 = arith.mulf %mul3A_44, %slice3A_42 : vector<1x2048xf32>
    %add3A_46 = arith.addf %slice3A, %mul3A_45 : vector<1x2048xf32>
    %slice3A_47 = vector.extract_strided_slice %add3A_41 {offsets = [2, 0], sizes = [1, 2048], strides = [1, 1]} : vector<4x2048xf32> to vector<1x2048xf32>
    %mul3A_48 = arith.constant 2.500000e+01 : f32
    %mul3A_49 = vector.broadcast %mul3A_48 : f32 to vector<1x2048xf32>
    %mul3A_50 = arith.mulf %mul3A_49, %slice3A_47 : vector<1x2048xf32>
    %add3A_51 = arith.addf %add3A_46, %mul3A_50 : vector<1x2048xf32>
    %slice3A_52 = vector.extract_strided_slice %add3A_41 {offsets = [3, 0], sizes = [1, 2048], strides = [1, 1]} : vector<4x2048xf32> to vector<1x2048xf32>
    %mul3A_53 = arith.constant 1.250000e+02 : f32
    %mul3A_54 = vector.broadcast %mul3A_53 : f32 to vector<1x2048xf32>
    %mul3A_55 = arith.mulf %mul3A_54, %slice3A_52 : vector<1x2048xf32>
    %add3A_56 = arith.addf %add3A_51, %mul3A_55 : vector<1x2048xf32>
    %convert_element_type3A = arith.fptosi %add3A_56 : vector<1x2048xf32> to vector<1x2048xi32>
    %swap3A_57 = arith.constant 0 : index
    %swap3A_58 = arith.constant 0 : index
    %swap3A_59 = arith.constant 0 : index
    %swap3A_60 = vector.load %arg6[%swap3A_57, %swap3A_58, %swap3A_59] : memref<1x4x2048xi32, #tpu.memory_space<vmem>>, vector<1x1x2048xi32>
    %swap3A_61 = vector.shape_cast %swap3A_60 : vector<1x1x2048xi32> to vector<1x2048xi32>
    %swap3A_62 = vector.shape_cast %convert_element_type3A : vector<1x2048xi32> to vector<1x1x2048xi32>
    tpu.vector_store %arg6[%swap3A_57, %swap3A_58, %swap3A_59], %swap3A_62 {strides = array<i32>} : memref<1x4x2048xi32, #tpu.memory_space<vmem>>, vector<1x1x2048xi32>,
    %add3A_63 = arith.constant 2.000000e+00 : f32
    %add3A_64 = vector.broadcast %add3A_63 : f32 to vector<4x2048xf32>
    %add3A_65 = arith.addf %round3A_26, %add3A_64 : vector<4x2048xf32>
    %slice3A_66 = vector.extract_strided_slice %add3A_65 {offsets = [0, 0], sizes = [1, 2048], strides = [1, 1]} : vector<4x2048xf32> to vector<1x2048xf32>
    %slice3A_67 = vector.extract_strided_slice %add3A_65 {offsets = [1, 0], sizes = [1, 2048], strides = [1, 1]} : vector<4x2048xf32> to vector<1x2048xf32>
    %mul3A_68 = arith.constant 5.000000e+00 : f32
    %mul3A_69 = vector.broadcast %mul3A_68 : f32 to vector<1x2048xf32>
    %mul3A_70 = arith.mulf %mul3A_69, %slice3A_67 : vector<1x2048xf32>
    %add3A_71 = arith.addf %slice3A_66, %mul3A_70 : vector<1x2048xf32>
    %slice3A_72 = vector.extract_strided_slice %add3A_65 {offsets = [2, 0], sizes = [1, 2048], strides = [1, 1]} : vector<4x2048xf32> to vector<1x2048xf32>
    %mul3A_73 = arith.constant 2.500000e+01 : f32
    %mul3A_74 = vector.broadcast %mul3A_73 : f32 to vector<1x2048xf32>
    %mul3A_75 = arith.mulf %mul3A_74, %slice3A_72 : vector<1x2048xf32>
    %add3A_76 = arith.addf %add3A_71, %mul3A_75 : vector<1x2048xf32>
    %slice3A_77 = vector.extract_strided_slice %add3A_65 {offsets = [3, 0], sizes = [1, 2048], strides = [1, 1]} : vector<4x2048xf32> to vector<1x2048xf32>
    %mul3A_78 = arith.constant 1.250000e+02 : f32
    %mul3A_79 = vector.broadcast %mul3A_78 : f32 to vector<1x2048xf32>
    %mul3A_80 = arith.mulf %mul3A_79, %slice3A_77 : vector<1x2048xf32>
    %add3A_81 = arith.addf %add3A_76, %mul3A_80 : vector<1x2048xf32>
    %convert_element_type3A_82 = arith.fptosi %add3A_81 : vector<1x2048xf32> to vector<1x2048xi32>
    %swap3A_83 = arith.constant 0 : index
    %swap3A_84 = arith.constant 1 : index
    %swap3A_85 = arith.constant 0 : index
    %swap3A_86 = vector.load %arg6[%swap3A_83, %swap3A_84, %swap3A_85] : memref<1x4x2048xi32, #tpu.memory_space<vmem>>, vector<1x1x2048xi32>
    %swap3A_87 = vector.shape_cast %swap3A_86 : vector<1x1x2048xi32> to vector<1x2048xi32>
    %swap3A_88 = vector.shape_cast %convert_element_type3A_82 : vector<1x2048xi32> to vector<1x1x2048xi32>
    tpu.vector_store %arg6[%swap3A_83, %swap3A_84, %swap3A_85], %swap3A_88 {strides = array<i32>} : memref<1x4x2048xi32, #tpu.memory_space<vmem>>, vector<1x1x2048xi32>,
    %get3A_89 = arith.constant 0 : index
    %get3A_90 = arith.constant 512 : index
    %get3A_91 = arith.constant 0 : index
    %get3A_92 = vector.load %arg2[%get3A_89, %get3A_90, %get3A_91] : memref<1x1024x2048xf32, #tpu.memory_space<vmem>>, vector<1x512x2048xf32>
    %get3A_93 = vector.shape_cast %get3A_92 : vector<1x512x2048xf32> to vector<512x2048xf32>
    %get3A_94 = arith.constant 1 : index
    %get3A_95 = arith.constant 0 : index
    %get3A_96 = vector.load %arg4[%get3A_94, %get3A_95] : memref<2x4xf32, #tpu.memory_space<vmem>>, vector<1x4xf32>
    %transpose3A_97 = tpu.transpose %get3A_96, [1, 0] : vector<1x4xf32> -> vector<4x1xf32>
    %get3A_98 = arith.constant 1 : index
    %get3A_99 = arith.constant 0 : index
    %get3A_100 = arith.constant 0 : index
    %get3A_101 = vector.load %arg3[%get3A_98, %get3A_99, %get3A_100] : memref<2x4x512xf32, #tpu.memory_space<vmem>>, vector<1x4x512xf32>
    %get3A_102 = vector.shape_cast %get3A_101 : vector<1x4x512xf32> to vector<4x512xf32>
    %dot_general3A_103 = arith.constant dense<0.000000e+00> : vector<4x2048xf32>
    %dot_general3A_104 = tpu.matmul %get3A_102, %get3A_93, %dot_general3A_103 {dimension_numbers = #tpu.dot_dimension_numbers<[1], [0], [0], [1], [0, 0, 1, 1], [], []>, transpose_lhs_hint = false} : vector<4x512xf32>, vector<512x2048xf32>, vector<4x2048xf32> -> vector<4x2048xf32>
    %add3A_105 = vector.broadcast %transpose3A_97 : vector<4x1xf32> to vector<4x2048xf32>
    %add3A_106 = arith.addf %dot_general3A_104, %add3A_105 : vector<4x2048xf32>
    %tanh3A_107 = math.tanh %add3A_106 : vector<4x2048xf32>
    %mul3A_108 = arith.constant 2.002000e+00 : f32
    %mul3A_109 = vector.broadcast %mul3A_108 : f32 to vector<4x2048xf32>
    %mul3A_110 = arith.mulf %tanh3A_107, %mul3A_109 : vector<4x2048xf32>
    %round3A_111 = math.roundeven %mul3A_110 : vector<4x2048xf32>
    %mul3A_112 = arith.constant 5.000000e-01 : f32
    %mul3A_113 = vector.broadcast %mul3A_112 : f32 to vector<4x2048xf32>
    %mul3A_114 = arith.mulf %round3A_111, %mul3A_113 : vector<4x2048xf32>
    %sub3A_115 = arith.subf %add3A_106, %mul3A_114 : vector<4x2048xf32>
    %mul3A_116 = arith.constant 4.000000e+00 : f32
    %mul3A_117 = vector.broadcast %mul3A_116 : f32 to vector<4x2048xf32>
    %mul3A_118 = arith.mulf %sub3A_115, %mul3A_117 : vector<4x2048xf32>
    %tanh3A_119 = math.tanh %mul3A_118 : vector<4x2048xf32>
    %mul3A_120 = arith.constant 2.002000e+00 : f32
    %mul3A_121 = vector.broadcast %mul3A_120 : f32 to vector<4x2048xf32>
    %mul3A_122 = arith.mulf %tanh3A_119, %mul3A_121 : vector<4x2048xf32>
    %round3A_123 = math.roundeven %mul3A_122 : vector<4x2048xf32>
    %mul3A_124 = arith.constant 5.000000e-01 : f32
    %mul3A_125 = vector.broadcast %mul3A_124 : f32 to vector<4x2048xf32>
    %mul3A_126 = arith.mulf %round3A_111, %mul3A_125 : vector<4x2048xf32>
    %mul3A_127 = arith.constant 1.250000e-01 : f32
    %mul3A_128 = vector.broadcast %mul3A_127 : f32 to vector<4x2048xf32>
    %mul3A_129 = arith.mulf %round3A_123, %mul3A_128 : vector<4x2048xf32>
    %add3A_130 = arith.addf %mul3A_126, %mul3A_129 : vector<4x2048xf32>
    %swap3A_131 = arith.constant 0 : index
    %swap3A_132 = arith.constant 4 : index
    %swap3A_133 = arith.constant 0 : index
    %swap3A_134 = vector.load %arg5[%swap3A_131, %swap3A_132, %swap3A_133] : memref<1x8x2048xf32, #tpu.memory_space<vmem>>, vector<1x4x2048xf32>
    %swap3A_135 = vector.shape_cast %swap3A_134 : vector<1x4x2048xf32> to vector<4x2048xf32>
    %swap3A_136 = vector.shape_cast %add3A_130 : vector<4x2048xf32> to vector<1x4x2048xf32>
    tpu.vector_store %arg5[%swap3A_131, %swap3A_132, %swap3A_133], %swap3A_136 {strides = array<i32>} : memref<1x8x2048xf32, #tpu.memory_space<vmem>>, vector<1x4x2048xf32>,
    %add3A_137 = arith.constant 2.000000e+00 : f32
    %add3A_138 = vector.broadcast %add3A_137 : f32 to vector<4x2048xf32>
    %add3A_139 = arith.addf %round3A_111, %add3A_138 : vector<4x2048xf32>
    %slice3A_140 = vector.extract_strided_slice %add3A_139 {offsets = [0, 0], sizes = [1, 2048], strides = [1, 1]} : vector<4x2048xf32> to vector<1x2048xf32>
    %slice3A_141 = vector.extract_strided_slice %add3A_139 {offsets = [1, 0], sizes = [1, 2048], strides = [1, 1]} : vector<4x2048xf32> to vector<1x2048xf32>
    %mul3A_142 = arith.constant 5.000000e+00 : f32
    %mul3A_143 = vector.broadcast %mul3A_142 : f32 to vector<1x2048xf32>
    %mul3A_144 = arith.mulf %mul3A_143, %slice3A_141 : vector<1x2048xf32>
    %add3A_145 = arith.addf %slice3A_140, %mul3A_144 : vector<1x2048xf32>
    %slice3A_146 = vector.extract_strided_slice %add3A_139 {offsets = [2, 0], sizes = [1, 2048], strides = [1, 1]} : vector<4x2048xf32> to vector<1x2048xf32>
    %mul3A_147 = arith.constant 2.500000e+01 : f32
    %mul3A_148 = vector.broadcast %mul3A_147 : f32 to vector<1x2048xf32>
    %mul3A_149 = arith.mulf %mul3A_148, %slice3A_146 : vector<1x2048xf32>
    %add3A_150 = arith.addf %add3A_145, %mul3A_149 : vector<1x2048xf32>
    %slice3A_151 = vector.extract_strided_slice %add3A_139 {offsets = [3, 0], sizes = [1, 2048], strides = [1, 1]} : vector<4x2048xf32> to vector<1x2048xf32>
    %mul3A_152 = arith.constant 1.250000e+02 : f32
    %mul3A_153 = vector.broadcast %mul3A_152 : f32 to vector<1x2048xf32>
    %mul3A_154 = arith.mulf %mul3A_153, %slice3A_151 : vector<1x2048xf32>
    %add3A_155 = arith.addf %add3A_150, %mul3A_154 : vector<1x2048xf32>
    %convert_element_type3A_156 = arith.fptosi %add3A_155 : vector<1x2048xf32> to vector<1x2048xi32>
    %swap3A_157 = arith.constant 0 : index
    %swap3A_158 = arith.constant 2 : index
    %swap3A_159 = arith.constant 0 : index
    %swap3A_160 = vector.load %arg6[%swap3A_157, %swap3A_158, %swap3A_159] : memref<1x4x2048xi32, #tpu.memory_space<vmem>>, vector<1x1x2048xi32>
    %swap3A_161 = vector.shape_cast %swap3A_160 : vector<1x1x2048xi32> to vector<1x2048xi32>
    %swap3A_162 = vector.shape_cast %convert_element_type3A_156 : vector<1x2048xi32> to vector<1x1x2048xi32>
    tpu.vector_store %arg6[%swap3A_157, %swap3A_158, %swap3A_159], %swap3A_162 {strides = array<i32>} : memref<1x4x2048xi32, #tpu.memory_space<vmem>>, vector<1x1x2048xi32>,
    %add3A_163 = arith.constant 2.000000e+00 : f32
    %add3A_164 = vector.broadcast %add3A_163 : f32 to vector<4x2048xf32>
    %add3A_165 = arith.addf %round3A_123, %add3A_164 : vector<4x2048xf32>
    %slice3A_166 = vector.extract_strided_slice %add3A_165 {offsets = [0, 0], sizes = [1, 2048], strides = [1, 1]} : vector<4x2048xf32> to vector<1x2048xf32>
    %slice3A_167 = vector.extract_strided_slice %add3A_165 {offsets = [1, 0], sizes = [1, 2048], strides = [1, 1]} : vector<4x2048xf32> to vector<1x2048xf32>
    %mul3A_168 = arith.constant 5.000000e+00 : f32
    %mul3A_169 = vector.broadcast %mul3A_168 : f32 to vector<1x2048xf32>
    %mul3A_170 = arith.mulf %mul3A_169, %slice3A_167 : vector<1x2048xf32>
    %add3A_171 = arith.addf %slice3A_166, %mul3A_170 : vector<1x2048xf32>
    %slice3A_172 = vector.extract_strided_slice %add3A_165 {offsets = [2, 0], sizes = [1, 2048], strides = [1, 1]} : vector<4x2048xf32> to vector<1x2048xf32>
    %mul3A_173 = arith.constant 2.500000e+01 : f32
    %mul3A_174 = vector.broadcast %mul3A_173 : f32 to vector<1x2048xf32>
    %mul3A_175 = arith.mulf %mul3A_174, %slice3A_172 : vector<1x2048xf32>
    %add3A_176 = arith.addf %add3A_171, %mul3A_175 : vector<1x2048xf32>
    %slice3A_177 = vector.extract_strided_slice %add3A_165 {offsets = [3, 0], sizes = [1, 2048], strides = [1, 1]} : vector<4x2048xf32> to vector<1x2048xf32>
    %mul3A_178 = arith.constant 1.250000e+02 : f32
    %mul3A_179 = vector.broadcast %mul3A_178 : f32 to vector<1x2048xf32>
    %mul3A_180 = arith.mulf %mul3A_179, %slice3A_177 : vector<1x2048xf32>
    %add3A_181 = arith.addf %add3A_176, %mul3A_180 : vector<1x2048xf32>
    %convert_element_type3A_182 = arith.fptosi %add3A_181 : vector<1x2048xf32> to vector<1x2048xi32>
    %swap3A_183 = arith.constant 0 : index
    %swap3A_184 = arith.constant 3 : index
    %swap3A_185 = arith.constant 0 : index
    %swap3A_186 = vector.load %arg6[%swap3A_183, %swap3A_184, %swap3A_185] : memref<1x4x2048xi32, #tpu.memory_space<vmem>>, vector<1x1x2048xi32>
    %swap3A_187 = vector.shape_cast %swap3A_186 : vector<1x1x2048xi32> to vector<1x2048xi32>
    %swap3A_188 = vector.shape_cast %convert_element_type3A_182 : vector<1x2048xi32> to vector<1x1x2048xi32>
    tpu.vector_store %arg6[%swap3A_183, %swap3A_184, %swap3A_185], %swap3A_188 {strides = array<i32>} : memref<1x4x2048xi32, #tpu.memory_space<vmem>>, vector<1x1x2048xi32>,
    return
  }
  func.func @transform_0(%arg0: i32, %arg1: i32) -> (i32, i32, i32) {
    %c0_i32 = arith.constant 0 : i32
    %c0_i32_0 = arith.constant 0 : i32
    return %arg0, %c0_i32, %arg1 : i32, i32, i32
  }
  func.func @transform_1(%arg0: i32, %arg1: i32) -> (i32, i32, i32) {
    %c0_i32 = arith.constant 0 : i32
    %c0_i32_0 = arith.constant 0 : i32
    %c0_i32_1 = arith.constant 0 : i32
    %c0_i32_2 = arith.constant 0 : i32
    return %c0_i32, %c0_i32_0, %c0_i32_1 : i32, i32, i32
  }
  func.func @transform_2(%arg0: i32, %arg1: i32) -> (i32, i32) {
    %c0_i32 = arith.constant 0 : i32
    %c0_i32_0 = arith.constant 0 : i32
    %c0_i32_1 = arith.constant 0 : i32
    return %c0_i32, %c0_i32_0 : i32, i32
  }
  func.func @transform_3(%arg0: i32, %arg1: i32) -> (i32, i32, i32) {
    %c0_i32 = arith.constant 0 : i32
    %c0_i32_0 = arith.constant 0 : i32
    return %arg0, %c0_i32, %arg1 : i32, i32, i32
  }
  func.func @transform_4(%arg0: i32, %arg1: i32) -> (i32, i32, i32) {
    %c0_i32 = arith.constant 0 : i32
    %c0_i32_0 = arith.constant 0 : i32
    return %arg0, %c0_i32, %arg1 : i32, i32, i32
  }
}

module attributes {stable_mosaic.version = 14 : i64} {
  func.func @_perp_body(%arg0: memref<16x10240xf32, #tpu.memory_space<vmem>>, %arg1: memref<4xf32, #tpu.memory_space<vmem>>, %arg2: memref<4xf32, #tpu.memory_space<vmem>>) attributes {dimension_semantics = [], scalar_prefetch = 0 : i64, scratch_operands = 0 : i64, tpu.core_type = #tpu.core_type<tc>} {
    %get3A = arith.constant 0 : index
    %get3A_0 = arith.constant 0 : index
    %get3A_1 = vector.load %arg0[%get3A, %get3A_0] : memref<16x10240xf32, #tpu.memory_space<vmem>>, vector<16x10240xf32>
    %reshape3A = vector.shape_cast %get3A_1 : vector<16x10240xf32> to vector<4x4x10240xf32>
    %reduce_sum3A = arith.constant dense<0.000000e+00> : vector<4x10240xf32>
    %reduce_sum3A_2 = vector.multi_reduction <add>, %reshape3A, %reduce_sum3A [1] : vector<4x4x10240xf32> to vector<4x10240xf32>
    %slice3A = vector.extract_strided_slice %reduce_sum3A_2 {offsets = [0, 0], sizes = [4, 640], strides = [1, 1]} : vector<4x10240xf32> to vector<4x640xf32>
    %add3A = arith.constant 0.000000e+00 : f32
    %add3A_3 = vector.broadcast %add3A : f32 to vector<4x640xf32>
    %add3A_4 = arith.addf %add3A_3, %slice3A : vector<4x640xf32>
    %slice3A_5 = vector.extract_strided_slice %reduce_sum3A_2 {offsets = [0, 640], sizes = [4, 640], strides = [1, 1]} : vector<4x10240xf32> to vector<4x640xf32>
    %add3A_6 = arith.addf %add3A_4, %slice3A_5 : vector<4x640xf32>
    %slice3A_7 = vector.extract_strided_slice %reduce_sum3A_2 {offsets = [0, 1280], sizes = [4, 640], strides = [1, 1]} : vector<4x10240xf32> to vector<4x640xf32>
    %add3A_8 = arith.addf %add3A_6, %slice3A_7 : vector<4x640xf32>
    %slice3A_9 = vector.extract_strided_slice %reduce_sum3A_2 {offsets = [0, 1920], sizes = [4, 640], strides = [1, 1]} : vector<4x10240xf32> to vector<4x640xf32>
    %add3A_10 = arith.addf %add3A_8, %slice3A_9 : vector<4x640xf32>
    %slice3A_11 = vector.extract_strided_slice %reduce_sum3A_2 {offsets = [0, 2560], sizes = [4, 640], strides = [1, 1]} : vector<4x10240xf32> to vector<4x640xf32>
    %add3A_12 = arith.addf %add3A_10, %slice3A_11 : vector<4x640xf32>
    %slice3A_13 = vector.extract_strided_slice %reduce_sum3A_2 {offsets = [0, 3200], sizes = [4, 640], strides = [1, 1]} : vector<4x10240xf32> to vector<4x640xf32>
    %add3A_14 = arith.addf %add3A_12, %slice3A_13 : vector<4x640xf32>
    %slice3A_15 = vector.extract_strided_slice %reduce_sum3A_2 {offsets = [0, 3840], sizes = [4, 640], strides = [1, 1]} : vector<4x10240xf32> to vector<4x640xf32>
    %add3A_16 = arith.addf %add3A_14, %slice3A_15 : vector<4x640xf32>
    %slice3A_17 = vector.extract_strided_slice %reduce_sum3A_2 {offsets = [0, 4480], sizes = [4, 640], strides = [1, 1]} : vector<4x10240xf32> to vector<4x640xf32>
    %add3A_18 = arith.addf %add3A_16, %slice3A_17 : vector<4x640xf32>
    %slice3A_19 = vector.extract_strided_slice %reduce_sum3A_2 {offsets = [0, 5120], sizes = [4, 640], strides = [1, 1]} : vector<4x10240xf32> to vector<4x640xf32>
    %add3A_20 = arith.addf %add3A_18, %slice3A_19 : vector<4x640xf32>
    %slice3A_21 = vector.extract_strided_slice %reduce_sum3A_2 {offsets = [0, 5760], sizes = [4, 640], strides = [1, 1]} : vector<4x10240xf32> to vector<4x640xf32>
    %add3A_22 = arith.addf %add3A_20, %slice3A_21 : vector<4x640xf32>
    %slice3A_23 = vector.extract_strided_slice %reduce_sum3A_2 {offsets = [0, 6400], sizes = [4, 640], strides = [1, 1]} : vector<4x10240xf32> to vector<4x640xf32>
    %add3A_24 = arith.addf %add3A_22, %slice3A_23 : vector<4x640xf32>
    %slice3A_25 = vector.extract_strided_slice %reduce_sum3A_2 {offsets = [0, 7040], sizes = [4, 640], strides = [1, 1]} : vector<4x10240xf32> to vector<4x640xf32>
    %add3A_26 = arith.addf %add3A_24, %slice3A_25 : vector<4x640xf32>
    %slice3A_27 = vector.extract_strided_slice %reduce_sum3A_2 {offsets = [0, 7680], sizes = [4, 640], strides = [1, 1]} : vector<4x10240xf32> to vector<4x640xf32>
    %add3A_28 = arith.addf %add3A_26, %slice3A_27 : vector<4x640xf32>
    %slice3A_29 = vector.extract_strided_slice %reduce_sum3A_2 {offsets = [0, 8320], sizes = [4, 640], strides = [1, 1]} : vector<4x10240xf32> to vector<4x640xf32>
    %add3A_30 = arith.addf %add3A_28, %slice3A_29 : vector<4x640xf32>
    %slice3A_31 = vector.extract_strided_slice %reduce_sum3A_2 {offsets = [0, 8960], sizes = [4, 640], strides = [1, 1]} : vector<4x10240xf32> to vector<4x640xf32>
    %add3A_32 = arith.addf %add3A_30, %slice3A_31 : vector<4x640xf32>
    %slice3A_33 = vector.extract_strided_slice %reduce_sum3A_2 {offsets = [0, 9600], sizes = [4, 640], strides = [1, 1]} : vector<4x10240xf32> to vector<4x640xf32>
    %add3A_34 = arith.addf %add3A_32, %slice3A_33 : vector<4x640xf32>
    %mul3A = arith.constant 6.10351563E-5 : f32
    %mul3A_35 = vector.broadcast %mul3A : f32 to vector<4x640xf32>
    %mul3A_36 = arith.mulf %add3A_34, %mul3A_35 : vector<4x640xf32>
    %reduce_sum3A_37 = arith.constant dense<0.000000e+00> : vector<4xf32>
    %reduce_sum3A_38 = vector.multi_reduction <add>, %mul3A_36, %reduce_sum3A_37 [1] : vector<4x640xf32> to vector<4xf32>
    %broadcast_in_dim3A = vector.shape_cast %reduce_sum3A_38 : vector<4xf32> to vector<4x1xf32>
    %add3A_39 = arith.constant 9.99999974E-6 : f32
    %add3A_40 = vector.broadcast %add3A_39 : f32 to vector<4x1xf32>
    %add3A_41 = arith.addf %broadcast_in_dim3A, %add3A_40 : vector<4x1xf32>
    %div3A = vector.broadcast %add3A_41 : vector<4x1xf32> to vector<4x640xf32>
    %div3A_42 = arith.divf %mul3A_36, %div3A : vector<4x640xf32>
    %add3A_43 = arith.constant 9.99999974E-6 : f32
    %add3A_44 = vector.broadcast %add3A_43 : f32 to vector<4x640xf32>
    %add3A_45 = arith.addf %div3A_42, %add3A_44 : vector<4x640xf32>
    %log3A = math.log %add3A_45 : vector<4x640xf32>
    %mul3A_46 = arith.mulf %div3A_42, %log3A : vector<4x640xf32>
    %reduce_sum3A_47 = arith.constant dense<0.000000e+00> : vector<4xf32>
    %reduce_sum3A_48 = vector.multi_reduction <add>, %mul3A_46, %reduce_sum3A_47 [1] : vector<4x640xf32> to vector<4xf32>
    %neg3A = arith.constant 0.000000e+00 : f32
    %neg3A_49 = vector.broadcast %neg3A : f32 to vector<4xf32>
    %neg3A_50 = arith.subf %neg3A_49, %reduce_sum3A_48 : vector<4xf32>
    %exp3A = math.exp %neg3A_50 : vector<4xf32>
    %swap3A = arith.constant 0 : index
    %swap3A_51 = vector.load %arg1[%swap3A] : memref<4xf32, #tpu.memory_space<vmem>>, vector<4xf32>
    tpu.vector_store %arg1[%swap3A], %exp3A {strides = array<i32>} : memref<4xf32, #tpu.memory_space<vmem>>, vector<4xf32>,
    %broadcast_in_dim3A_52 = arith.constant 0.000000e+00 : f32
    %broadcast_in_dim3A_53 = vector.broadcast %broadcast_in_dim3A_52 : f32 to vector<4xf32>
    %swap3A_54 = arith.constant 0 : index
    %swap3A_55 = vector.load %arg2[%swap3A_54] : memref<4xf32, #tpu.memory_space<vmem>>, vector<4xf32>
    tpu.vector_store %arg2[%swap3A_54], %broadcast_in_dim3A_53 {strides = array<i32>} : memref<4xf32, #tpu.memory_space<vmem>>, vector<4xf32>,
    return
  }
}

</mosaic_0001>

<sc_bundles>
// kernel: kernel.6.cloned.1.call-start
scs
__scs_entry_jumppad:
0x0: {  	(pc) =	sbr.rel $0x88, $3  }
0x1: {  	(tag) =	ssettag $0x0;
	lr =	simm.s32 $0x1  }
0x2: {  	[smem:$0x3F9C] =	sst lr;
	_ =	strace $0xD0000000  }
0x3: {  	_ = 	snop  }
0x4: {  	_ = 	snop  }
0x5: {  	_ = 	snop  }
0x6: {  	_ = 	snop  }
0x7: {  	_ = 	snop  }
__scs_overlays_trampoline_lowered:
0x8: {  	[smem:$0x3FAB] =	sst s0  }
0x9: {  	[smem:$0x3FAC] =	sst s1  }
0xa: {  	[smem:$0x3FAD] =	sst s2  }
0xb: {  	[smem:$0x3FAE] =	sst s3  }
0xc: {  	[smem:$0x3FAF] =	sst s4  }
0xd: {  	[smem:$0x3FB0] =	sst s5  }
0xe: {  	[smem:$0x3FB1] =	sst s6  }
0xf: {  	[smem:$0x3FB2] =	sst s7  }
0x10: {  	[smem:$0x3FB3] =	sst s8  }
0x11: {  	[smem:$0x3FB4] =	sst s9;
	s0 =	simm.s32 @!p0 $0x0  }
0x12: {  	s1 =	sld [smem:$0x3F9A];
	s0 =	simm.s32 @p0 $0x1  }
0x13: {  	[smem:$0x3FB5] =	sst s0;
	s0 =	simm.s32 @!p1 $0x0  }
0x14: {  	s2 =	sld [smem:$0x3F99];
	s0 =	simm.s32 @p1 $0x1  }
0x15: {  	[smem:$0x3FB6] =	sst s0;
	s0 =	simm.s32 @!p2 $0x0  }
0x16: {  	s3 =	sld [smem:$0x3FDB];
	s0 =	simm.s32 @p2 $0x1  }
0x17: {  	s4 =	simm.s32 $0x1BF5;
	[smem:$0x3FB8] =	sst s0  }
0x18: {  	s0 =	sld [smem:$0x3F9B];
	_ =	swait.ge [sflag:s4], $0x0  }
0x19: {  	s7 =	sld [smem:$0x3F9C]  }
0x1a: {  	s8 =	sadd.s32 $0xFFFFE003, lr  }
0x1b: {  	s9 =	sadd.s32 $0xFFFFFEF7, lr;
	s5 =	simm.s32 $0xFFFFFFFF;
	p2 =	slt.u32 s8, $0xFFFFF086  }
0x1c: {  	p1 =	slt.u32 s9, $0xF7A;
	s5 =	simm.s32 @!p2 $0x0  }
0x1d: {  	s5 =	simm.s32 @p1 $0x1;
	p0 =	seq.s32 s7, s2  }
0x1e: {  	s7 =	smul.u32 @!p0 $0xF7A, s2;
	p2 =	seq.s32 @!p0 s5, $0x0  }
0x1f: {  	s9 =	smul.u32 $0xF7A, s1;
	s8 =	simm.s32 @!p0 $0x1BF5;
	p2 =	por !p2, p0  }
0x20: {  	[sflag:s8] =	ssyncset.s32 @!p0 $0xFFFFF086;
	s6 =	sadd.s32 @!p0 s3, s7;
	s7 =	simm.s32 @!p0 $0x108  }
0x21: {  	s3 =	sadd.s32 s3, s9;
	s6 =	sadd.s32 @!p0 $0x88, s6;
	s7 =	simm.s32 @p2 $0x1082  }
0x22: {  	[simem:s7], [sflag:s8] =	dma.local @!p0 [hbm:s6], $0xF7A  }
0x23: {  	s9 =	sor.u32 $0xD0000000, s2;
	s6 =	simm.s32 $0x108;
	_ =	swait.ge @!p0 [sflag:s8], $0x0  }
0x24: {  	s3 =	sadd.s32 $0x88, s3;
	s6 =	simm.s32 @!p1 $0x1082;
	[sflag:s4] =	ssyncset.s32 $0xFFFFF086  }
0x25: {  	[simem:s6], [sflag:s4] =	dma.local [hbm:s3], $0xF7A  }
0x26: {  	[smem:$0x3F9C] =	sst s1;
	(tag) =	ssettag s2;
	_ =	strace s9  }
0x27: {  	s1 =	sld [smem:$0x3FAC]  }
0x28: {  	s2 =	sld [smem:$0x3FAD]  }
0x29: {  	s4 =	sld [smem:$0x3FAF]  }
0x2a: {  	p0 =	seq.s32 s5, $0x0;
	s5 =	sld [smem:$0x3FB0]  }
0x2b: {  	s6 =	sld [smem:$0x3FB1]  }
0x2c: {  	s7 =	sld [smem:$0x3FB2]  }
0x2d: {  	s3 =	simm.s32 $0x108;
	s8 =	sld [smem:$0x3FB3]  }
0x2e: {  	s3 =	simm.s32 @!p0 $0x1082;
	s9 =	sld [smem:$0x3FB4]  }
0x2f: {  	lr =	sadd.s32 s0, s3;
	s0 =	sld [smem:$0x3FAB]  }
0x30: {  	s3 =	sld [smem:$0x3FAE]  }
0x31: {  	[smem:$0x3FB7] =	sst s10  }
0x32: {  	s10 =	sld [smem:$0x3FB5];
	_ =	sdelay $0x3  }
0x33: {  	p0 =	seq.s32 s10, $0x1;
	s10 =	sld [smem:$0x3FB7];
	_ =	sdelay $0x3  }
0x34: {  	[smem:$0x3FB7] =	sst s10  }
0x35: {  	s10 =	sld [smem:$0x3FB6];
	_ =	sdelay $0x3  }
0x36: {  	p1 =	seq.s32 s10, $0x1;
	s10 =	sld [smem:$0x3FB7];
	_ =	sdelay $0x3  }
0x37: {  	[smem:$0x3FB7] =	sst s10  }
0x38: {  	s10 =	sld [smem:$0x3FB8]  }
0x39: {  	_ = 	snop;
	(pc) =	sbr.ind lr, $3  }
0x3a: {  	_ = 	snop  }
0x3b: {  	_ = 	snop  }
0x3c: {  	p2 =	seq.s32 s10, $0x1;
	s10 =	sld [smem:$0x3FB7]  }
0x3d: {  	_ =	shalt  }
0x3e: {  	_ =	shalt  }
0x3f: {  	_ =	shalt  }
0x40: {  	_ =	shalt  }
0x41: {  	_ =	shalt  }
0x42: {  	_ =	shalt  }
0x43: {  	_ =	shalt  }
0x44: {  	_ =	shalt  }
0x45: {  	_ =	shalt  }
0x46: {  	_ =	shalt  }
0x47: {  	_ =	shalt  }
0x48: {  	_ =	shalt  }
0x49: {  	_ =	shalt  }
0x4a: {  	_ =	shalt  }
0x4b: {  	_ =	shalt  }
0x4c: {  	_ =	shalt  }
0x4d: {  	_ =	shalt  }
0x4e: {  	_ =	shalt  }
0x4f: {  	_ =	shalt  }
0x50: {  	_ =	shalt  }
0x51: {  	_ =	shalt  }
0x52: {  	_ =	shalt  }
0x53: {  	_ =	shalt  }
0x54: {  	_ =	shalt  }
0x55: {  	_ =	shalt  }
0x56: {  	_ =	shalt  }
0x57: {  	_ =	shalt  }
0x58: {  	_ =	shalt  }
0x59: {  	_ =	shalt  }
0x5a: {  	_ =	shalt  }
0x5b: {  	_ =	shalt  }
0x5c: {  	_ =	shalt  }
0x5d: {  	_ =	shalt  }
0x5e: {  	_ =	shalt  }
0x5f: {  	_ =	shalt  }
0x60: {  	_ =	shalt  }
0x61: {  	_ =	shalt  }
0x62: {  	_ =	shalt  }
0x63: {  	_ =	shalt  }
0x64: {  	_ =	shalt  }
0x65: {  	_ =	shalt  }
0x66: {  	_ =	shalt  }
0x67: {  	_ =	shalt  }
0x68: {  	_ =	shalt  }
0x69: {  	_ =	shalt  }
0x6a: {  	_ =	shalt  }
0x6b: {  	_ =	shalt  }
0x6c: {  	_ =	shalt  }
0x6d: {  	_ =	shalt  }
0x6e: {  	_ =	shalt  }
0x6f: {  	_ =	shalt  }
0x70: {  	_ =	shalt  }
0x71: {  	_ =	shalt  }
0x72: {  	_ =	shalt  }
0x73: {  	_ =	shalt  }
0x74: {  	_ =	shalt  }
0x75: {  	_ =	shalt  }
0x76: {  	_ =	shalt  }
0x77: {  	_ =	shalt  }
0x78: {  	_ =	shalt  }
0x79: {  	_ =	shalt  }
0x7a: {  	_ =	shalt  }
0x7b: {  	_ =	shalt  }
0x7c: {  	_ =	shalt  }
0x7d: {  	_ =	shalt  }
0x7e: {  	_ =	shalt  }
0x7f: {  	_ =	shalt  }
0x80: {  	_ =	shalt  }
0x81: {  	_ =	shalt  }
0x82: {  	_ =	shalt  }
0x83: {  	_ =	shalt  }
0x84: {  	_ =	shalt  }
0x85: {  	_ =	shalt  }
0x86: {  	_ =	shalt  }
0x87: {  	_ =	shalt  }
.Lfunc_end0:
.L_simem_size_0:
called_computation_lowered:
.L_overlay_start_0:
0x88: {  	s0 =	sld [smem:$0x3FD9]  }
0x89: {  	s1 =	sld [smem:$0x3FFE];
	_ =	sdelay $0x3  }
0x8a: {  	s0 =	sadd.s32 s1, s0  }
0x8b: {  	[smem:$0x3FC3] =	sst s0  }
0x8c: {  	_ = 	snop  }
0x8d: {  	s0 =	sld [smem:$0x3FD0];
	_ =	sdelay $0x2  }
0x8e: {  	s13 =	simm.s32 $0xA;
	s2 =	simm.s32 $0x10  }
0x8f: {  	[smem:s2], [sflag:s13] =	dma.local [hbm:s0], $0x1  }
0x90: {  	_ =	swait.eq [sflag:s13], $0x1  }
0x91: {  	[sflag:s13] =	ssyncset.done $0x0  }
0x92: {  	[sflag:s13] =	ssyncadd.s32 $0xFFFFFFFF  }
0x93: {  	s14 =	sld [smem:$0x13];
	(tm) =	ssettm $0x1  }
0x94: {  	s15 =	sld [smem:$0x3FFB];
	_ =	sdelay $0x3  }
0x95: {  	_ =	strace s15  }
0x96: {  	s1 =	sld [smem:$0x3FFC];
	_ =	sdelay $0x3  }
0x97: {  	_ =	strace s1  }
0x98: {  	s1 =	sld [smem:$0x3FFD];
	_ =	sdelay $0x3  }
0x99: {  	_ =	strace s1  }
0x9a: {  	_ =	strace $0x8FFFFFFF  }
0x9b: {  	s16 =	sld [smem:$0x3FDB];
	_ =	sdelay $0x1  }
0x9c: {  	s17 =	simm.s32 $_scs_section_size  }
0x9d: {  	s3 =	simm.s32 $_size__tile_overlayer_lowered;
	s4 =	simm.s32 $_tile_overlayer_lowered  }
0x9e: {  	s20 =	simm.s32 $0x1BFF;
	s19 =	sshll.u32 s4, $0x1;
	s1 =	sadd.s32 s17, s16  }
0x9f: {  	s5 =	simm.s32 $0x0;
	s18 =	sshll.u32 s3, $0x1;
	s3 =	sadd.s32 s19, s1  }
0xa0: {  	[timem:s5], [sflag:s20] =	dma.local [hbm:s3], s18  }
0xa1: {  	_ =	swait.ge [sflag:s20], s18  }
0xa2: {  	s2 =	ssub.s32 $0x0, s18;
	[sflag:s20] =	ssyncset.done $0x0  }
0xa3: {  	[sflag:s20] =	ssyncadd.s32 s2;
	_ =	sdelay $0x1  }
0xa4: {  	s21 =	simm.s32 $0x1B8B  }
0xa5: {  	_ =	swait.ge [sflag:s21], $0x1  }
0xa6: {  	[sflag:s21] =	ssyncset.done $0x0  }
0xa7: {  	s23 =	simm.s32 $0x1B8E;
	s22 =	sld [smem:$0x3FFE];
	[sflag:s21] =	ssyncadd.s32 $0xFFFFFFFF  }
0xa8: {  	s24 =	simm.s32 $execute0_lowered;
	[smem:$0x3FD2] =	sst s23  }
0xa9: {  	s3 =	sshll.u32 s24, $0x1;
	_ =	strace $0x80000046;
	[dreg:$0x1] =	wrdreg $0xFFFFFFFF  }
0xaa: {  	s25 =	simm.s32 $_size_execute0_lowered;
	s1 =	sadd.s32 s1, s3;
	[dreg:$0x0] =	wrdreg $0x0  }
0xab: {  	s3 =	sshll.u32 s25, $0x1;
	[dreg:$0x2] =	wrdreg s1  }
0xac: {  	[dreg:$0x3] =	wrdreg s3  }
0xad: {  	[dreg:$0x4] =	wrdreg $0xC0  }
0xae: {  	_ =	task [dreg:s5], $0x5FFFF  }
0xaf: {  	[dreg:$0x1] =	wrdreg $0xFFFFFFFF  }
0xb0: {  	[dreg:$0x0] =	wrdreg $0x60  }
0xb1: {  	[dreg:$0x2] =	wrdreg s14  }
0xb2: {  	[dreg:$0x3] =	wrdreg s22  }
0xb3: {  	[dreg:$0x4] =	wrdreg $0x9  }
0xb4: {  	_ =	task.clear_ibuf [dreg:s5], $0x5FFFF;
	_ =	strace $0x90000046  }
0xb5: {  	s26 =	simm.s32 $0x9;
	_ =	strace $0x80000048  }
0xb6: {  	_ =	swait.ge [sflag:s26], $0x1  }
0xb7: {  	[sflag:s26] =	ssyncadd.s32 $0xFFFFFFFF  }
0xb8: {  	_ =	strace $0x90000048  }
0xb9: {  	_ =	sfence  }
0xba: {  	s28 =	sld [smem:$0x0];
	_ =	sdelay $0x1  }
0xbb: {  	s29 =	srdreg.scid  }
0xbc: {  	s30 =	sshll.u32 s29, $0xD;
	s31 =	sshrl.u32 s29, $0x2  }
0xbd: {  	s2 =	sand.u32 $0x4000, s30;
	s1 =	sand.u32 $0x1, s29;
	s0 =	sadd.s32 s31, s28  }
0xbe: {  	s1 =	sor.u32 s2, s1;
	s0 =	sshll.u32 s0, $0x11  }
0xbf: {  	s0 =	sor.u32 s0, s1  }
0xc0: {  	s0 =	sadd.s32 $0x8F2B, s0  }
0xc1: {  	[sflag:s0] =	ssyncadd.remote.s32 $0x1  }
0xc2: {  	_ =	sfence.sel $0xFFFF  }
0xc3: {  	[dreg:$0x0] =	wrdreg $0xFFFFFFFF;
	(pc) =	sbr.abs _section_cstart, $3  }
0xc4: {  	[dreg:$0x1] =	wrdreg $0xFFFFFFFF  }
0xc5: {  	_ =	task.clear_ibuf [dreg:s5], $0x2FFFF;
	_ =	strace $0x9FFFFFFF  }
0xc6: {  	(tm) =	ssettm $0x7FFFFFFF  }
0xc7: {  	_ =	shalt  }
tec
execute0_lowered:
.L_overlay_start_1:
0x0: {  	(tag) =	ssettag $0x1  }
0x1: {  	s2 =	rddreg [dreg:$0x0]  }
0x2: {  	s4 =	rddreg [dreg:$0x1]  }
0x3: {  	s1 =	stileid.u32;
	s0 =	rddreg [dreg:$0x2]  }
0x4: {  	s3 =	simm.s32 $0x0;
	s29 =	simm.s32 $0x80;
	s5 =	sshll.u32 s1, $0x2  }
0x5: {  	s30 =	simm.s32 $0x200;
	s6 =	sshll.u32 s1, $0xB;
	s5 =	sand.u32 $0x30, s5  }
0x6: {  	[smem:$0x7FF] =	sst s3;
	s6 =	sand.u32 $0x1800, s6;
	s2 =	sadd.s32 s2, s5  }
0x7: {  	s31 =	simm.s32 $0x1;
	_ =	strace $0x80000047;
	s2 =	sadd.s32 s6, s2  }
0x8: {  	[tilespmem:s3], [sflag:$0x1] =	stream.strided.gather [hbm4b:s2+s29], $0x1000, s30, s29, $0x38;
	[tilespmem:$0x3800] =	vst v63  }
0x9: {  	_ =	swait.ge [sflag:s31], $0x1000  }
0xa: {  	[sflag:s31] =	ssyncset.done $0x0  }
0xb: {  	v0 =	vimm.f32 $0.0e+00;
	s2 =	sadd.s32 $0x1200, s4;
	[sflag:s31] =	ssyncadd.s32 $0xFFFFF000  }
.LBB2_1:
0xc: {  	p0 =	sne.s32 s3, $0x9FC0  }
.Ltmp0:
0xd: {  	_ = 	snop;
	(pc) =	sbr.rel @p0 .LBB2_1-.Ltmp0, $3  }
0xe: {  	_ =	sdelay $0x1  }
0xf: {  	s4 =	sshra.s32 s3, $0x2  }
0x10: {  	s3 =	sadd.s32 $0x40, s3;
	[tilespmem:s4+$0x1000] =	vst v0  }
0x11: {  	v0 =	vlaneseq.u32  }
0x12: {  	s3 =	simm.s32 $0x1000;
	s5 =	simm.s32 $0x0;
	s4 =	simm.s32 $0x40;
	v1 =	vmul.u32 $0x280, v0;
	v0 =	vimm.f32 $1.000000000e+00  }
.LBB2_3:
0x13: {  	p0 =	sne.s32 s4, $0x3FC0;
	v2 =	vld [tilespmem:s5+$0x0];
	_ =	sdelay $0x4  }
0x14: {  	v2 =	vadd.s32 v1, v2  }
.Ltmp1:
0x15: {  	(pc) =	sbr.rel @p0 .LBB2_3-.Ltmp1, $2  }
0x16: {  	_ =	sdelay $0x2  }
0x17: {  	s5 =	sshra.s32 s4, $0x2;
	s4 =	sadd.s32 $0x40, s4;
	[tilespmem:v2+s3+$0x0] =	vst.idx.add.f32.msk $0xffff, v0  }
0x18: {  	v2 =	vld [tilespmem:s5+$0x0];
	_ =	sdelay $0x4  }
0x19: {  	s4 =	sshrl.u32 s1, $0x3;
	v1 =	vadd.s32 v1, v2  }
0x1a: {  	s26 =	sshll.u32 s1, $0x7;
	s4 =	smul.u32 $0x14000, s4  }
0x1b: {  	s5 =	sand.u32 $0x380, s26  }
0x1c: {  	s4 =	sor.u32 s5, s4  }
0x1d: {  	s28 =	simm.s32 $0x80;
	s29 =	simm.s32 $0x400;
	s4 =	sshrl.u32 s4, $0x3  }
0x1e: {  	s30 =	simm.s32 $0x1000;
	s31 =	simm.s32 $0x1;
	s2 =	sadd.s32 s2, s4;
	[tilespmem:v1+s3+$0x0] =	vst.idx.add.f32.msk $0xffff, v0  }
0x1f: {  	[hbm4b:s2+s28] =	stream.strided.scatter [tilespmem:s30], [sflag:$0x1], $0x2800, s29, s28, $0x38;
	[tilespmem:$0x3800] =	vst v63  }
0x20: {  	_ =	swait.ge [sflag:s31], $0x2800  }
0x21: {  	[sflag:s31] =	ssyncset.done $0x0  }
0x22: {  	[sflag:s31] =	ssyncadd.s32 $0xFFFFD800  }
0x23: {  	_ =	sfence.sel $0x180000  }
0x24: {  	[bflag:$0x0] =	sbarrier.arrive $0xFFFF  }
0x25: {  	p0 =	sne.s32 s1, $0x0;
	_ =	strace $0x90000047  }
0x26: {  	s0 =	sadd.s32 @!p0 $0x100000, s0;
	[bflag:$0x2] =	sbarrier.arrive $0xFFFF  }
0x27: {  	[sflag:s0] =	ssyncadd.tile.s32 @!p0 $0x1;
	_ =	shalt  }
.Lfunc_end2:
_tile_overlayer_lowered:
.L_overlay_start_2:
0x28: {  	(tag) =	ssettag $0x2  }
0x29: {  	s0 =	rddreg [dreg:$0x0];
	s2 =	stileid.u32  }
0x2a: {  	s1 =	rddreg [dreg:$0x1];
	p0 =	sne.s32 s2, $0x0  }
0x2b: {  	s3 =	rddreg [dreg:$0x2];
	[bflag:$0x3] =	sbarrier.arrive $0xFFFF;
	s2 =	simm.s32 @!p0 $0x1C01  }
0x2c: {  	[timem:s3], [sflag:s2] =	dma.local @!p0 [hbm:s0], s1  }
0x2d: {  	s0 =	simm.s32 @!p0 $0x1  }
0x2e: {  	_ =	swait.ge @!p0 [sflag:s0], s1  }
0x2f: {  	s1 =	ssub.s32 @!p0 $0x0, s1;
	[sflag:s0] =	ssyncset.done @!p0 $0x0  }
0x30: {  	[sflag:s0] =	ssyncadd.s32 @!p0 s1  }
0x31: {  	[bflag:$0x3] =	sbarrier.arrive $0xFFFF  }
0x32: {  	_ =	shalt  }

</sc_bundles>
